<compile_context>
chip_gen: v7x
topology: tpu7x:2x2x1
jax: 0.10.2.dev20260603
libtpu: 0.0.44.dev20260713+nightly
codegen_flags: <defaults>
</compile_context>

<pallas_src>
import functools

import jax
import jax.numpy as jnp
from jax import lax
from jax.experimental import pallas as pl
from jax.experimental.pallas import tpu as pltpu
from jax.experimental.pallas import tpu_sc as plsc

_EPS = 1e-12
_CH = 128


@functools.lru_cache(maxsize=None)
def _sc_gather_fn(V, D, B, S, NC, NS):
    N = B * S
    NW = NC * NS
    b_per_w = N // NW
    nch = b_per_w // _CH
    w_per_row = S // b_per_w
    mesh = plsc.VectorSubcoreMesh(
        core_axis_name="c", subcore_axis_name="s", num_cores=NC, num_subcores=NS
    )

    @functools.partial(
        pl.kernel,
        out_type=jax.ShapeDtypeStruct((N, D), jnp.float32),
        mesh=mesh,
        scratch_types=[
            pltpu.VMEM((b_per_w,), jnp.int32),
            pltpu.VMEM((b_per_w, D), jnp.float32),
            pltpu.SemaphoreType.DMA,
        ],
    )
    def gather_kernel(ids_hbm, table_hbm, out_hbm, idx_v, rows_v, sem):
        wid = lax.axis_index("s") * NC + lax.axis_index("c")
        base = wid * b_per_w
        row = wid // w_per_row
        off = (wid % w_per_row) * b_per_w
        pltpu.sync_copy(ids_hbm.at[row, pl.ds(off, b_per_w)], idx_v)
        copies = [
            pltpu.async_copy(
                table_hbm.at[idx_v.at[pl.ds(j * _CH, _CH)]],
                rows_v.at[pl.ds(j * _CH, _CH)],
                sem,
            )
            for j in range(nch)
        ]
        for cp in copies:
            cp.wait()
        pltpu.sync_copy(rows_v, out_hbm.at[pl.ds(base, b_per_w)])

    return gather_kernel


@functools.lru_cache(maxsize=None)
def _tc_ln_fn(N, S, D, BLK):
    nblk = N // BLK
    spb = max(S // BLK, 1)
    nb = nblk // spb

    def tok_blk(j):
        return (j % nb) * spb + j // nb

    def body(tt_ref, x_ref, pos_ref, type_ref, g_ref, b_ref, o_ref):
        x = x_ref[...]
        tt = tt_ref[0, 0, :].astype(jnp.float32)[:, None]
        t0 = type_ref[0, :][None, :]
        t1 = type_ref[1, :][None, :]
        x = x + pos_ref[...] + t0 + (t1 - t0) * tt
        mean = jnp.mean(x, axis=-1, keepdims=True)
        xc = x - mean
        var = jnp.mean(xc * xc, axis=-1, keepdims=True)
        y = xc * lax.rsqrt(var + _EPS)
        o_ref[...] = y * g_ref[...] + b_ref[...]

    return pl.pallas_call(
        body,
        grid=(nblk,),
        in_specs=[
            pl.BlockSpec((1, 1, BLK), lambda i: (tok_blk(i), 0, 0)),
            pl.BlockSpec((BLK, D), lambda i: (tok_blk(i), 0)),
            pl.BlockSpec((BLK, D), lambda i: (i // nb, 0)),
            pl.BlockSpec((2, D), lambda i: (0, 0)),
            pl.BlockSpec((1, D), lambda i: (0, 0)),
            pl.BlockSpec((1, D), lambda i: (0, 0)),
        ],
        out_specs=pl.BlockSpec((BLK, D), lambda i: (tok_blk(i), 0)),
        out_shape=jax.ShapeDtypeStruct((N, D), jnp.float32),
    )


def kernel(input_ids, token_type_ids, word_emb, type_emb, pos_emb, gamma, beta):
    B, S = input_ids.shape
    V, D = word_emb.shape
    N = B * S
    info = plsc.get_sparse_core_info()
    NC, NS = info.num_cores, info.num_subcores

    gathered = _sc_gather_fn(V, D, B, S, NC, NS)(input_ids, word_emb)

    BLK = 2048
    tt3 = token_type_ids.reshape(N // BLK, 1, BLK)
    out = _tc_ln_fn(N, S, D, BLK)(
        tt3, gathered, pos_emb, type_emb, gamma.reshape(1, D), beta.reshape(1, D)
    )
    return out.reshape(B, S, D)

# --- scband reference (transcript-rebuilt; emitter-appended) ---
"""Pipeline reference for scband-albert-embeddings-31911607009525 (READ-ONLY COPY).

The authoritative reference and input builder live on the scoring server;
editing this copy changes nothing except your own understanding.
"""

import jax, jax.numpy as jnp
import numpy as np

VOCAB = 100000
EMB = 128
TYPES = 2
MAXPOS = 2048
B = 4
S = 2048
EPS = 1e-12


def setup_inputs(seed: int = 0) -> dict:
    key = jax.random.key(seed)
    k1, k2, k3, k4, k5 = jax.random.split(key, 5)
    input_ids = jax.random.randint(k1, (B, S), 0, VOCAB, dtype=jnp.int32)
    token_type_ids = jax.random.randint(k2, (B, S), 0, TYPES, dtype=jnp.int32)
    word_emb = jax.random.normal(k3, (VOCAB, EMB), dtype=jnp.float32) * 0.02
    word_emb = word_emb.at[0].set(0.0)  # padding_idx=0
    type_emb = jax.random.normal(k4, (TYPES, EMB), dtype=jnp.float32) * 0.02
    pos_emb = jax.random.normal(k5, (MAXPOS, EMB), dtype=jnp.float32) * 0.02
    gamma = jnp.ones((EMB,), dtype=jnp.float32)
    beta = jnp.zeros((EMB,), dtype=jnp.float32)
    return {
        "input_ids": input_ids,
        "token_type_ids": token_type_ids,
        "word_emb": word_emb,
        "type_emb": type_emb,
        "pos_emb": pos_emb,
        "gamma": gamma,
        "beta": beta,
    }


def reference(input_ids, token_type_ids, word_emb, type_emb, pos_emb, gamma, beta):
    seq_len = input_ids.shape[1]
    position_ids = jnp.arange(seq_len, dtype=jnp.int32)  # broadcast over batch
    embeddings = jnp.take(word_emb, input_ids, axis=0)
    embeddings = embeddings + jnp.take(type_emb, token_type_ids, axis=0)
    embeddings = embeddings + jnp.take(pos_emb, position_ids, axis=0)[None, :, :]
    mean = jnp.mean(embeddings, axis=-1, keepdims=True)
    var = jnp.mean(jnp.square(embeddings - mean), axis=-1, keepdims=True)
    normed = (embeddings - mean) / jnp.sqrt(var + EPS)
    out = normed * gamma + beta
    # dropout is identity in eval mode / p=0.0
    return out

if __name__ == "__main__":
    import jax
    _d = setup_inputs()
    print(jax.jit(kernel)(*tuple(_d.values())))

</pallas_src>

<mosaic_0001>
#map = affine_map<(d0, d1) -> (0, 0)>
module attributes {stable_mosaic.version = 14 : i64} {
  func.func @gather_kernel(%arg0: i32, %arg1: i32, %arg2: memref<4x2048xi32, #tpu.memory_space<hbm>>, %arg3: memref<100000x128xf32, #tpu.memory_space<hbm>>, %arg4: memref<8192x128xf32, #tpu.memory_space<hbm>>, %arg5: memref<256xi32, #tpu.memory_space<vmem>>, %arg6: memref<256x128xf32, #tpu.memory_space<vmem>>, %arg7: memref<!tpu.dma_semaphore, #tpu.memory_space<semaphore_mem>>) attributes {dimension_semantics = [#tpu.dimension_semantics<core_parallel>, #tpu.dimension_semantics<subcore_parallel>], iteration_bounds = array<i64: 2, 16>, scalar_prefetch = 0 : i64, scratch_operands = 3 : i64, tpu.core_type = #tpu.core_type<sc_vector_subcore>, window_params = [{transform_indices = #map}, {transform_indices = #map}, {transform_indices = #map}]} {
    %mul3A = arith.constant 2 : i32
    %mul3A_0 = arith.muli %arg1, %mul3A : i32
    %add3A = arith.addi %mul3A_0, %arg0 : i32
    %mul3A_1 = arith.constant 256 : i32
    %mul3A_2 = arith.muli %add3A, %mul3A_1 : i32
    %jit3A = arith.constant 8 : i32
    %div3A = arith.divsi %add3A, %jit3A : i32
    %sign3A = arith.constant 0 : i32
    %sign3A_3 = arith.cmpi sgt, %add3A, %sign3A : i32
    %sign3A_4 = arith.extui %sign3A_3 : i1 to i32
    %sign3A_5 = arith.constant 0 : i32
    %sign3A_6 = arith.cmpi slt, %add3A, %sign3A_5 : i32
    %sign3A_7 = arith.extui %sign3A_6 : i1 to i32
    %sign3A_8 = arith.subi %sign3A_4, %sign3A_7 : i32
    %sign3A_9 = arith.constant 0 : i32
    %sign3A_10 = arith.cmpi sgt, %jit3A, %sign3A_9 : i32
    %sign3A_11 = arith.extui %sign3A_10 : i1 to i32
    %sign3A_12 = arith.constant 0 : i32
    %sign3A_13 = arith.cmpi slt, %jit3A, %sign3A_12 : i32
    %sign3A_14 = arith.extui %sign3A_13 : i1 to i32
    %sign3A_15 = arith.subi %sign3A_11, %sign3A_14 : i32
    %ne3A = arith.cmpi ne, %sign3A_8, %sign3A_15 : i32
    %rem3A = arith.remsi %add3A, %jit3A : i32
    %ne3A_16 = arith.constant 0 : i32
    %ne3A_17 = arith.cmpi ne, %rem3A, %ne3A_16 : i32
    %and3A = arith.andi %ne3A, %ne3A_17 : i1
    %sub3A = arith.constant 1 : i32
    %sub3A_18 = arith.subi %div3A, %sub3A : i32
    %select_n3A = arith.select %and3A, %sub3A_18, %div3A : i32
    %jit3A_19 = arith.constant 8 : i32
    %eq3A = arith.constant 0 : i32
    %eq3A_20 = arith.cmpi eq, %jit3A_19, %eq3A : i32
    %jit3A_21 = arith.constant 1 : i32
    %select_n3A_22 = arith.select %eq3A_20, %jit3A_21, %jit3A_19 : i32
    %rem3A_23 = arith.remsi %add3A, %select_n3A_22 : i32
    %ne3A_24 = arith.constant 0 : i32
    %ne3A_25 = arith.cmpi ne, %rem3A_23, %ne3A_24 : i32
    %lt3A = arith.constant 0 : i32
    %lt3A_26 = arith.cmpi slt, %rem3A_23, %lt3A : i32
    %lt3A_27 = arith.constant 0 : i32
    %lt3A_28 = arith.cmpi slt, %select_n3A_22, %lt3A_27 : i32
    %ne3A_29 = arith.xori %lt3A_26, %lt3A_28 : i1
    %and3A_30 = arith.andi %ne3A_29, %ne3A_25 : i1
    %add3A_31 = arith.addi %rem3A_23, %select_n3A_22 : i32
    %select_n3A_32 = arith.select %and3A_30, %add3A_31, %rem3A_23 : i32
    %mul3A_33 = arith.constant 256 : i32
    %mul3A_34 = arith.muli %select_n3A_32, %mul3A_33 : i32
    "tpu.region"() ({
      %run_scoped3A = tpu.sem_alloc : memref<!tpu.dma_semaphore, #tpu.memory_space<semaphore_mem>>
      %dma_start3A_65 = tpu.memref_slice %arg2[%select_n3A, %mul3A_34] : memref<4x2048xi32, #tpu.memory_space<hbm>> -> memref<1x256xi32, #tpu.memory_space<hbm>>
      %dma_start3A_66 = tpu.memref_squeeze %dma_start3A_65 : memref<1x256xi32, #tpu.memory_space<hbm>> -> memref<256xi32, #tpu.memory_space<hbm>>
      %dma_start3A_67 = tpu.memref_slice %arg2[%select_n3A, %mul3A_34] : memref<4x2048xi32, #tpu.memory_space<hbm>> -> memref<1x256xi32, #tpu.memory_space<hbm>>
      %dma_start3A_68 = tpu.memref_squeeze %dma_start3A_67 : memref<1x256xi32, #tpu.memory_space<hbm>> -> memref<256xi32, #tpu.memory_space<hbm>>
      tpu.enqueue_dma source(%dma_start3A_68 : memref<256xi32, #tpu.memory_space<hbm>>) target(%arg5 : memref<256xi32, #tpu.memory_space<vmem>>) target_semaphore(%run_scoped3A : memref<!tpu.dma_semaphore, #tpu.memory_space<semaphore_mem>>)
      %dma_wait3A_69 = tpu.memref_slice %arg2[%select_n3A, %mul3A_34] : memref<4x2048xi32, #tpu.memory_space<hbm>> -> memref<1x256xi32, #tpu.memory_space<hbm>>
      %dma_wait3A_70 = tpu.memref_squeeze %dma_wait3A_69 : memref<1x256xi32, #tpu.memory_space<hbm>> -> memref<256xi32, #tpu.memory_space<hbm>>
      %dma_wait3A_71 = tpu.memref_slice %arg2[%select_n3A, %mul3A_34] : memref<4x2048xi32, #tpu.memory_space<hbm>> -> memref<1x256xi32, #tpu.memory_space<hbm>>
      %dma_wait3A_72 = tpu.memref_squeeze %dma_wait3A_71 : memref<1x256xi32, #tpu.memory_space<hbm>> -> memref<256xi32, #tpu.memory_space<hbm>>
      tpu.wait_dma2 semaphore(%run_scoped3A : memref<!tpu.dma_semaphore, #tpu.memory_space<semaphore_mem>>) src(%dma_wait3A_72 : memref<256xi32, #tpu.memory_space<hbm>>) dst(%arg5 : memref<256xi32, #tpu.memory_space<vmem>>)
      tpu.yield
    }) : () -> ()
    %dma_start3A = arith.constant 0 : i32
    %dma_start3A_35 = arith.constant 0 : i32
    %dma_start3A_36 = tpu.memref_slice %arg6[%dma_start3A, %dma_start3A_35] : memref<256x128xf32, #tpu.memory_space<vmem>> -> memref<128x128xf32, #tpu.memory_space<vmem>>
    %dma_start3A_37 = arith.constant 0 : i32
    %dma_start3A_38 = tpu.memref_slice %arg5[%dma_start3A_37] : memref<256xi32, #tpu.memory_space<vmem>> -> memref<128xi32, #tpu.memory_space<vmem>>
    %dma_start3A_39 = arith.constant 0 : i32
    %dma_start3A_40 = arith.constant 0 : i32
    %dma_start3A_41 = tpu.memref_slice %arg3[%dma_start3A_39, %dma_start3A_40] : memref<100000x128xf32, #tpu.memory_space<hbm>> -> memref<100000x128xf32, #tpu.memory_space<hbm>>
    tpu.enqueue_indirect_dma source(%dma_start3A_41 : memref<100000x128xf32, #tpu.memory_space<hbm>>) target(%dma_start3A_36 : memref<128x128xf32, #tpu.memory_space<vmem>>) offsets(%dma_start3A_38 : memref<128xi32, #tpu.memory_space<vmem>>) semaphore(%arg7 : memref<!tpu.dma_semaphore, #tpu.memory_space<semaphore_mem>>)
    %dma_start3A_42 = arith.constant 128 : i32
    %dma_start3A_43 = arith.constant 0 : i32
    %dma_start3A_44 = tpu.memref_slice %arg6[%dma_start3A_42, %dma_start3A_43] : memref<256x128xf32, #tpu.memory_space<vmem>> -> memref<128x128xf32, #tpu.memory_space<vmem>>
    %dma_start3A_45 = arith.constant 128 : i32
    %dma_start3A_46 = tpu.memref_slice %arg5[%dma_start3A_45] : memref<256xi32, #tpu.memory_space<vmem>> -> memref<128xi32, #tpu.memory_space<vmem>>
    %dma_start3A_47 = arith.constant 0 : i32
    %dma_start3A_48 = arith.constant 0 : i32
    %dma_start3A_49 = tpu.memref_slice %arg3[%dma_start3A_47, %dma_start3A_48] : memref<100000x128xf32, #tpu.memory_space<hbm>> -> memref<100000x128xf32, #tpu.memory_space<hbm>>
    tpu.enqueue_indirect_dma source(%dma_start3A_49 : memref<100000x128xf32, #tpu.memory_space<hbm>>) target(%dma_start3A_44 : memref<128x128xf32, #tpu.memory_space<vmem>>) offsets(%dma_start3A_46 : memref<128xi32, #tpu.memory_space<vmem>>) semaphore(%arg7 : memref<!tpu.dma_semaphore, #tpu.memory_space<semaphore_mem>>)
    %dma_wait3A = arith.constant 0 : i32
    %dma_wait3A_50 = arith.constant 0 : i32
    %dma_wait3A_51 = tpu.memref_slice %arg6[%dma_wait3A, %dma_wait3A_50] : memref<256x128xf32, #tpu.memory_space<vmem>> -> memref<128x128xf32, #tpu.memory_space<vmem>>
    %dma_wait3A_52 = arith.constant 0 : i32
    %dma_wait3A_53 = tpu.memref_slice %arg5[%dma_wait3A_52] : memref<256xi32, #tpu.memory_space<vmem>> -> memref<128xi32, #tpu.memory_space<vmem>>
    %dma_wait3A_54 = arith.constant 0 : i32
    %dma_wait3A_55 = arith.constant 0 : i32
    %dma_wait3A_56 = tpu.memref_slice %arg3[%dma_wait3A_54, %dma_wait3A_55] : memref<100000x128xf32, #tpu.memory_space<hbm>> -> memref<100000x128xf32, #tpu.memory_space<hbm>>
    tpu.wait_indirect_dma semaphore(%arg7 : memref<!tpu.dma_semaphore, #tpu.memory_space<semaphore_mem>>) src(%dma_wait3A_56 : memref<100000x128xf32, #tpu.memory_space<hbm>>) dst(%dma_wait3A_51 : memref<128x128xf32, #tpu.memory_space<vmem>>)
    %dma_wait3A_57 = arith.constant 128 : i32
    %dma_wait3A_58 = arith.constant 0 : i32
    %dma_wait3A_59 = tpu.memref_slice %arg6[%dma_wait3A_57, %dma_wait3A_58] : memref<256x128xf32, #tpu.memory_space<vmem>> -> memref<128x128xf32, #tpu.memory_space<vmem>>
    %dma_wait3A_60 = arith.constant 128 : i32
    %dma_wait3A_61 = tpu.memref_slice %arg5[%dma_wait3A_60] : memref<256xi32, #tpu.memory_space<vmem>> -> memref<128xi32, #tpu.memory_space<vmem>>
    %dma_wait3A_62 = arith.constant 0 : i32
    %dma_wait3A_63 = arith.constant 0 : i32
    %dma_wait3A_64 = tpu.memref_slice %arg3[%dma_wait3A_62, %dma_wait3A_63] : memref<100000x128xf32, #tpu.memory_space<hbm>> -> memref<100000x128xf32, #tpu.memory_space<hbm>>
    tpu.wait_indirect_dma semaphore(%arg7 : memref<!tpu.dma_semaphore, #tpu.memory_space<semaphore_mem>>) src(%dma_wait3A_64 : memref<100000x128xf32, #tpu.memory_space<hbm>>) dst(%dma_wait3A_59 : memref<128x128xf32, #tpu.memory_space<vmem>>)
    "tpu.region"() ({
      %run_scoped3A = tpu.sem_alloc : memref<!tpu.dma_semaphore, #tpu.memory_space<semaphore_mem>>
      %dma_start3A_65 = arith.constant 0 : i32
      %dma_start3A_66 = tpu.memref_slice %arg4[%mul3A_2, %dma_start3A_65] : memref<8192x128xf32, #tpu.memory_space<hbm>> -> memref<256x128xf32, #tpu.memory_space<hbm>>
      %dma_start3A_67 = arith.constant 0 : i32
      %dma_start3A_68 = tpu.memref_slice %arg4[%mul3A_2, %dma_start3A_67] : memref<8192x128xf32, #tpu.memory_space<hbm>> -> memref<256x128xf32, #tpu.memory_space<hbm>>
      tpu.enqueue_dma source(%arg6 : memref<256x128xf32, #tpu.memory_space<vmem>>) target(%dma_start3A_68 : memref<256x128xf32, #tpu.memory_space<hbm>>) target_semaphore(%run_scoped3A : memref<!tpu.dma_semaphore, #tpu.memory_space<semaphore_mem>>)
      %dma_wait3A_69 = arith.constant 0 : i32
      %dma_wait3A_70 = tpu.memref_slice %arg4[%mul3A_2, %dma_wait3A_69] : memref<8192x128xf32, #tpu.memory_space<hbm>> -> memref<256x128xf32, #tpu.memory_space<hbm>>
      %dma_wait3A_71 = arith.constant 0 : i32
      %dma_wait3A_72 = tpu.memref_slice %arg4[%mul3A_2, %dma_wait3A_71] : memref<8192x128xf32, #tpu.memory_space<hbm>> -> memref<256x128xf32, #tpu.memory_space<hbm>>
      tpu.wait_dma2 semaphore(%run_scoped3A : memref<!tpu.dma_semaphore, #tpu.memory_space<semaphore_mem>>) src(%arg6 : memref<256x128xf32, #tpu.memory_space<vmem>>) dst(%dma_wait3A_72 : memref<256x128xf32, #tpu.memory_space<hbm>>)
      tpu.yield
    }) : () -> ()
    return
  }
}

module attributes {stable_mosaic.version = 14 : i64} {
  func.func @body(%arg0: i32, %arg1: memref<1x1x2048xi32, #tpu.memory_space<vmem>>, %arg2: memref<2048x128xf32, #tpu.memory_space<vmem>>, %arg3: memref<2048x128xf32, #tpu.memory_space<vmem>>, %arg4: memref<2x128xf32, #tpu.memory_space<vmem>>, %arg5: memref<1x128xf32, #tpu.memory_space<vmem>>, %arg6: memref<1x128xf32, #tpu.memory_space<vmem>>, %arg7: memref<2048x128xf32, #tpu.memory_space<vmem>>) attributes {dimension_semantics = [#tpu.dimension_semantics<arbitrary>], iteration_bounds = array<i64: 4>, scalar_prefetch = 0 : i64, scratch_operands = 0 : i64, tpu.core_type = #tpu.core_type<tc>, window_params = [{transform_indices = @transform_0, window_bounds = array<i64: 1, 1, 2048>}, {transform_indices = @transform_1, window_bounds = array<i64: 2048, 128>}, {transform_indices = @transform_2, window_bounds = array<i64: 2048, 128>}, {pipeline_mode = #tpu.pipeline_mode<synchronous>, transform_indices = @transform_3, window_bounds = array<i64: 2, 128>}, {pipeline_mode = #tpu.pipeline_mode<synchronous>, transform_indices = @transform_4, window_bounds = array<i64: 1, 128>}, {pipeline_mode = #tpu.pipeline_mode<synchronous>, transform_indices = @transform_5, window_bounds = array<i64: 1, 128>}, {transform_indices = @transform_6, window_bounds = array<i64: 2048, 128>}]} {
    %get3A = arith.constant 0 : index
    %get3A_0 = arith.constant 0 : index
    %get3A_1 = vector.load %arg2[%get3A, %get3A_0] : memref<2048x128xf32, #tpu.memory_space<vmem>>, vector<2048x128xf32>
    %get3A_2 = arith.constant 0 : index
    %get3A_3 = arith.constant 0 : index
    %get3A_4 = arith.constant 0 : index
    %get3A_5 = vector.load %arg1[%get3A_2, %get3A_3, %get3A_4] : memref<1x1x2048xi32, #tpu.memory_space<vmem>>, vector<1x1x2048xi32>
    %get3A_6 = vector.shape_cast %get3A_5 : vector<1x1x2048xi32> to vector<2048xi32>
    %convert_element_type3A = arith.sitofp %get3A_6 : vector<2048xi32> to vector<2048xf32>
    %broadcast_in_dim3A = vector.shape_cast %convert_element_type3A : vector<2048xf32> to vector<2048x1xf32>
    %get3A_7 = arith.constant 0 : index
    %get3A_8 = arith.constant 0 : index
    %get3A_9 = vector.load %arg4[%get3A_7, %get3A_8] : memref<2x128xf32, #tpu.memory_space<vmem>>, vector<1x128xf32>
    %get3A_10 = vector.shape_cast %get3A_9 : vector<1x128xf32> to vector<128xf32>
    %broadcast_in_dim3A_11 = vector.shape_cast %get3A_10 : vector<128xf32> to vector<1x128xf32>
    %get3A_12 = arith.constant 1 : index
    %get3A_13 = arith.constant 0 : index
    %get3A_14 = vector.load %arg4[%get3A_12, %get3A_13] : memref<2x128xf32, #tpu.memory_space<vmem>>, vector<1x128xf32>
    %get3A_15 = vector.shape_cast %get3A_14 : vector<1x128xf32> to vector<128xf32>
    %broadcast_in_dim3A_16 = vector.shape_cast %get3A_15 : vector<128xf32> to vector<1x128xf32>
    %get3A_17 = arith.constant 0 : index
    %get3A_18 = arith.constant 0 : index
    %get3A_19 = vector.load %arg3[%get3A_17, %get3A_18] : memref<2048x128xf32, #tpu.memory_space<vmem>>, vector<2048x128xf32>
    %add3A = arith.addf %get3A_1, %get3A_19 : vector<2048x128xf32>
    %add3A_20 = vector.broadcast %broadcast_in_dim3A_11 : vector<1x128xf32> to vector<2048x128xf32>
    %add3A_21 = arith.addf %add3A, %add3A_20 : vector<2048x128xf32>
    %sub3A = arith.subf %broadcast_in_dim3A_16, %broadcast_in_dim3A_11 : vector<1x128xf32>
    %mul3A = vector.broadcast %sub3A : vector<1x128xf32> to vector<2048x128xf32>
    %mul3A_22 = vector.broadcast %broadcast_in_dim3A : vector<2048x1xf32> to vector<2048x128xf32>
    %mul3A_23 = arith.mulf %mul3A, %mul3A_22 : vector<2048x128xf32>
    %add3A_24 = arith.addf %add3A_21, %mul3A_23 : vector<2048x128xf32>
    %reduce_sum3A = arith.constant dense<0.000000e+00> : vector<2048xf32>
    %reduce_sum3A_25 = vector.multi_reduction <add>, %add3A_24, %reduce_sum3A [1] : vector<2048x128xf32> to vector<2048xf32>
    %broadcast_in_dim3A_26 = vector.shape_cast %reduce_sum3A_25 : vector<2048xf32> to vector<2048x1xf32>
    %div3A = arith.constant 1.280000e+02 : f32
    %div3A_27 = vector.broadcast %div3A : f32 to vector<2048x1xf32>
    %div3A_28 = arith.divf %broadcast_in_dim3A_26, %div3A_27 : vector<2048x1xf32>
    %sub3A_29 = vector.broadcast %div3A_28 : vector<2048x1xf32> to vector<2048x128xf32>
    %sub3A_30 = arith.subf %add3A_24, %sub3A_29 : vector<2048x128xf32>
    %mul3A_31 = arith.mulf %sub3A_30, %sub3A_30 : vector<2048x128xf32>
    %reduce_sum3A_32 = arith.constant dense<0.000000e+00> : vector<2048xf32>
    %reduce_sum3A_33 = vector.multi_reduction <add>, %mul3A_31, %reduce_sum3A_32 [1] : vector<2048x128xf32> to vector<2048xf32>
    %broadcast_in_dim3A_34 = vector.shape_cast %reduce_sum3A_33 : vector<2048xf32> to vector<2048x1xf32>
    %div3A_35 = arith.constant 1.280000e+02 : f32
    %div3A_36 = vector.broadcast %div3A_35 : f32 to vector<2048x1xf32>
    %div3A_37 = arith.divf %broadcast_in_dim3A_34, %div3A_36 : vector<2048x1xf32>
    %add3A_38 = arith.constant 9.99999996E-13 : f32
    %add3A_39 = vector.broadcast %add3A_38 : f32 to vector<2048x1xf32>
    %add3A_40 = arith.addf %div3A_37, %add3A_39 : vector<2048x1xf32>
    %rsqrt3A = math.rsqrt %add3A_40 : vector<2048x1xf32>
    %mul3A_41 = vector.broadcast %rsqrt3A : vector<2048x1xf32> to vector<2048x128xf32>
    %mul3A_42 = arith.mulf %sub3A_30, %mul3A_41 : vector<2048x128xf32>
    %get3A_43 = arith.constant 0 : index
    %get3A_44 = arith.constant 0 : index
    %get3A_45 = vector.load %arg5[%get3A_43, %get3A_44] : memref<1x128xf32, #tpu.memory_space<vmem>>, vector<1x128xf32>
    %mul3A_46 = vector.broadcast %get3A_45 : vector<1x128xf32> to vector<2048x128xf32>
    %mul3A_47 = arith.mulf %mul3A_42, %mul3A_46 : vector<2048x128xf32>
    %get3A_48 = arith.constant 0 : index
    %get3A_49 = arith.constant 0 : index
    %get3A_50 = vector.load %arg6[%get3A_48, %get3A_49] : memref<1x128xf32, #tpu.memory_space<vmem>>, vector<1x128xf32>
    %add3A_51 = vector.broadcast %get3A_50 : vector<1x128xf32> to vector<2048x128xf32>
    %add3A_52 = arith.addf %mul3A_47, %add3A_51 : vector<2048x128xf32>
    %swap3A = arith.constant 0 : index
    %swap3A_53 = arith.constant 0 : index
    %swap3A_54 = vector.load %arg7[%swap3A, %swap3A_53] : memref<2048x128xf32, #tpu.memory_space<vmem>>, vector<2048x128xf32>
    tpu.vector_store %arg7[%swap3A, %swap3A_53], %add3A_52 {strides = array<i32>} : memref<2048x128xf32, #tpu.memory_space<vmem>>, vector<2048x128xf32>,
    return
  }
  func.func @transform_0(%arg0: i32) -> (i32, i32, i32) {
    %jit3A = arith.constant 4 : i32
    %eq3A = arith.constant 0 : i32
    %eq3A_0 = arith.cmpi eq, %jit3A, %eq3A : i32
    %jit3A_1 = arith.constant 1 : i32
    %select_n3A = arith.select %eq3A_0, %jit3A_1, %jit3A : i32
    %rem3A = arith.remsi %arg0, %select_n3A : i32
    %ne3A = arith.constant 0 : i32
    %ne3A_2 = arith.cmpi ne, %rem3A, %ne3A : i32
    %lt3A = arith.constant 0 : i32
    %lt3A_3 = arith.cmpi slt, %rem3A, %lt3A : i32
    %lt3A_4 = arith.constant 0 : i32
    %lt3A_5 = arith.cmpi slt, %select_n3A, %lt3A_4 : i32
    %ne3A_6 = arith.xori %lt3A_3, %lt3A_5 : i1
    %and3A = arith.andi %ne3A_6, %ne3A_2 : i1
    %add3A = arith.addi %rem3A, %select_n3A : i32
    %select_n3A_7 = arith.select %and3A, %add3A, %rem3A : i32
    %mul3A = arith.constant 1 : i32
    %mul3A_8 = arith.muli %select_n3A_7, %mul3A : i32
    %jit3A_9 = arith.constant 4 : i32
    %div3A = arith.divsi %arg0, %jit3A_9 : i32
    %sign3A = arith.constant 0 : i32
    %sign3A_10 = arith.cmpi sgt, %arg0, %sign3A : i32
    %sign3A_11 = arith.extui %sign3A_10 : i1 to i32
    %sign3A_12 = arith.constant 0 : i32
    %sign3A_13 = arith.cmpi slt, %arg0, %sign3A_12 : i32
    %sign3A_14 = arith.extui %sign3A_13 : i1 to i32
    %sign3A_15 = arith.subi %sign3A_11, %sign3A_14 : i32
    %sign3A_16 = arith.constant 0 : i32
    %sign3A_17 = arith.cmpi sgt, %jit3A_9, %sign3A_16 : i32
    %sign3A_18 = arith.extui %sign3A_17 : i1 to i32
    %sign3A_19 = arith.constant 0 : i32
    %sign3A_20 = arith.cmpi slt, %jit3A_9, %sign3A_19 : i32
    %sign3A_21 = arith.extui %sign3A_20 : i1 to i32
    %sign3A_22 = arith.subi %sign3A_18, %sign3A_21 : i32
    %ne3A_23 = arith.cmpi ne, %sign3A_15, %sign3A_22 : i32
    %rem3A_24 = arith.remsi %arg0, %jit3A_9 : i32
    %ne3A_25 = arith.constant 0 : i32
    %ne3A_26 = arith.cmpi ne, %rem3A_24, %ne3A_25 : i32
    %and3A_27 = arith.andi %ne3A_23, %ne3A_26 : i1
    %sub3A = arith.constant 1 : i32
    %sub3A_28 = arith.subi %div3A, %sub3A : i32
    %select_n3A_29 = arith.select %and3A_27, %sub3A_28, %div3A : i32
    %add3A_30 = arith.addi %mul3A_8, %select_n3A_29 : i32
    %c0_i32 = arith.constant 0 : i32
    %c0_i32_31 = arith.constant 0 : i32
    %c0_i32_32 = arith.constant 0 : i32
    return %add3A_30, %c0_i32, %c0_i32_31 : i32, i32, i32
  }
  func.func @transform_1(%arg0: i32) -> (i32, i32) {
    %jit3A = arith.constant 4 : i32
    %eq3A = arith.constant 0 : i32
    %eq3A_0 = arith.cmpi eq, %jit3A, %eq3A : i32
    %jit3A_1 = arith.constant 1 : i32
    %select_n3A = arith.select %eq3A_0, %jit3A_1, %jit3A : i32
    %rem3A = arith.remsi %arg0, %select_n3A : i32
    %ne3A = arith.constant 0 : i32
    %ne3A_2 = arith.cmpi ne, %rem3A, %ne3A : i32
    %lt3A = arith.constant 0 : i32
    %lt3A_3 = arith.cmpi slt, %rem3A, %lt3A : i32
    %lt3A_4 = arith.constant 0 : i32
    %lt3A_5 = arith.cmpi slt, %select_n3A, %lt3A_4 : i32
    %ne3A_6 = arith.xori %lt3A_3, %lt3A_5 : i1
    %and3A = arith.andi %ne3A_6, %ne3A_2 : i1
    %add3A = arith.addi %rem3A, %select_n3A : i32
    %select_n3A_7 = arith.select %and3A, %add3A, %rem3A : i32
    %mul3A = arith.constant 1 : i32
    %mul3A_8 = arith.muli %select_n3A_7, %mul3A : i32
    %jit3A_9 = arith.constant 4 : i32
    %div3A = arith.divsi %arg0, %jit3A_9 : i32
    %sign3A = arith.constant 0 : i32
    %sign3A_10 = arith.cmpi sgt, %arg0, %sign3A : i32
    %sign3A_11 = arith.extui %sign3A_10 : i1 to i32
    %sign3A_12 = arith.constant 0 : i32
    %sign3A_13 = arith.cmpi slt, %arg0, %sign3A_12 : i32
    %sign3A_14 = arith.extui %sign3A_13 : i1 to i32
    %sign3A_15 = arith.subi %sign3A_11, %sign3A_14 : i32
    %sign3A_16 = arith.constant 0 : i32
    %sign3A_17 = arith.cmpi sgt, %jit3A_9, %sign3A_16 : i32
    %sign3A_18 = arith.extui %sign3A_17 : i1 to i32
    %sign3A_19 = arith.constant 0 : i32
    %sign3A_20 = arith.cmpi slt, %jit3A_9, %sign3A_19 : i32
    %sign3A_21 = arith.extui %sign3A_20 : i1 to i32
    %sign3A_22 = arith.subi %sign3A_18, %sign3A_21 : i32
    %ne3A_23 = arith.cmpi ne, %sign3A_15, %sign3A_22 : i32
    %rem3A_24 = arith.remsi %arg0, %jit3A_9 : i32
    %ne3A_25 = arith.constant 0 : i32
    %ne3A_26 = arith.cmpi ne, %rem3A_24, %ne3A_25 : i32
    %and3A_27 = arith.andi %ne3A_23, %ne3A_26 : i1
    %sub3A = arith.constant 1 : i32
    %sub3A_28 = arith.subi %div3A, %sub3A : i32
    %select_n3A_29 = arith.select %and3A_27, %sub3A_28, %div3A : i32
    %add3A_30 = arith.addi %mul3A_8, %select_n3A_29 : i32
    %c0_i32 = arith.constant 0 : i32
    %c0_i32_31 = arith.constant 0 : i32
    return %add3A_30, %c0_i32 : i32, i32
  }
  func.func @transform_2(%arg0: i32) -> (i32, i32) {
    %jit3A = arith.constant 4 : i32
    %div3A = arith.divsi %arg0, %jit3A : i32
    %sign3A = arith.constant 0 : i32
    %sign3A_0 = arith.cmpi sgt, %arg0, %sign3A : i32
    %sign3A_1 = arith.extui %sign3A_0 : i1 to i32
    %sign3A_2 = arith.constant 0 : i32
    %sign3A_3 = arith.cmpi slt, %arg0, %sign3A_2 : i32
    %sign3A_4 = arith.extui %sign3A_3 : i1 to i32
    %sign3A_5 = arith.subi %sign3A_1, %sign3A_4 : i32
    %sign3A_6 = arith.constant 0 : i32
    %sign3A_7 = arith.cmpi sgt, %jit3A, %sign3A_6 : i32
    %sign3A_8 = arith.extui %sign3A_7 : i1 to i32
    %sign3A_9 = arith.constant 0 : i32
    %sign3A_10 = arith.cmpi slt, %jit3A, %sign3A_9 : i32
    %sign3A_11 = arith.extui %sign3A_10 : i1 to i32
    %sign3A_12 = arith.subi %sign3A_8, %sign3A_11 : i32
    %ne3A = arith.cmpi ne, %sign3A_5, %sign3A_12 : i32
    %rem3A = arith.remsi %arg0, %jit3A : i32
    %ne3A_13 = arith.constant 0 : i32
    %ne3A_14 = arith.cmpi ne, %rem3A, %ne3A_13 : i32
    %and3A = arith.andi %ne3A, %ne3A_14 : i1
    %sub3A = arith.constant 1 : i32
    %sub3A_15 = arith.subi %div3A, %sub3A : i32
    %select_n3A = arith.select %and3A, %sub3A_15, %div3A : i32
    %c0_i32 = arith.constant 0 : i32
    %c0_i32_16 = arith.constant 0 : i32
    return %select_n3A, %c0_i32 : i32, i32
  }
  func.func @transform_3(%arg0: i32) -> (i32, i32) {
    %c0_i32 = arith.constant 0 : i32
    %c0_i32_0 = arith.constant 0 : i32
    %c0_i32_1 = arith.constant 0 : i32
    return %c0_i32, %c0_i32_0 : i32, i32
  }
  func.func @transform_4(%arg0: i32) -> (i32, i32) {
    %c0_i32 = arith.constant 0 : i32
    %c0_i32_0 = arith.constant 0 : i32
    %c0_i32_1 = arith.constant 0 : i32
    return %c0_i32, %c0_i32_0 : i32, i32
  }
  func.func @transform_5(%arg0: i32) -> (i32, i32) {
    %c0_i32 = arith.constant 0 : i32
    %c0_i32_0 = arith.constant 0 : i32
    %c0_i32_1 = arith.constant 0 : i32
    return %c0_i32, %c0_i32_0 : i32, i32
  }
  func.func @transform_6(%arg0: i32) -> (i32, i32) {
    %jit3A = arith.constant 4 : i32
    %eq3A = arith.constant 0 : i32
    %eq3A_0 = arith.cmpi eq, %jit3A, %eq3A : i32
    %jit3A_1 = arith.constant 1 : i32
    %select_n3A = arith.select %eq3A_0, %jit3A_1, %jit3A : i32
    %rem3A = arith.remsi %arg0, %select_n3A : i32
    %ne3A = arith.constant 0 : i32
    %ne3A_2 = arith.cmpi ne, %rem3A, %ne3A : i32
    %lt3A = arith.constant 0 : i32
    %lt3A_3 = arith.cmpi slt, %rem3A, %lt3A : i32
    %lt3A_4 = arith.constant 0 : i32
    %lt3A_5 = arith.cmpi slt, %select_n3A, %lt3A_4 : i32
    %ne3A_6 = arith.xori %lt3A_3, %lt3A_5 : i1
    %and3A = arith.andi %ne3A_6, %ne3A_2 : i1
    %add3A = arith.addi %rem3A, %select_n3A : i32
    %select_n3A_7 = arith.select %and3A, %add3A, %rem3A : i32
    %mul3A = arith.constant 1 : i32
    %mul3A_8 = arith.muli %select_n3A_7, %mul3A : i32
    %jit3A_9 = arith.constant 4 : i32
    %div3A = arith.divsi %arg0, %jit3A_9 : i32
    %sign3A = arith.constant 0 : i32
    %sign3A_10 = arith.cmpi sgt, %arg0, %sign3A : i32
    %sign3A_11 = arith.extui %sign3A_10 : i1 to i32
    %sign3A_12 = arith.constant 0 : i32
    %sign3A_13 = arith.cmpi slt, %arg0, %sign3A_12 : i32
    %sign3A_14 = arith.extui %sign3A_13 : i1 to i32
    %sign3A_15 = arith.subi %sign3A_11, %sign3A_14 : i32
    %sign3A_16 = arith.constant 0 : i32
    %sign3A_17 = arith.cmpi sgt, %jit3A_9, %sign3A_16 : i32
    %sign3A_18 = arith.extui %sign3A_17 : i1 to i32
    %sign3A_19 = arith.constant 0 : i32
    %sign3A_20 = arith.cmpi slt, %jit3A_9, %sign3A_19 : i32
    %sign3A_21 = arith.extui %sign3A_20 : i1 to i32
    %sign3A_22 = arith.subi %sign3A_18, %sign3A_21 : i32
    %ne3A_23 = arith.cmpi ne, %sign3A_15, %sign3A_22 : i32
    %rem3A_24 = arith.remsi %arg0, %jit3A_9 : i32
    %ne3A_25 = arith.constant 0 : i32
    %ne3A_26 = arith.cmpi ne, %rem3A_24, %ne3A_25 : i32
    %and3A_27 = arith.andi %ne3A_23, %ne3A_26 : i1
    %sub3A = arith.constant 1 : i32
    %sub3A_28 = arith.subi %div3A, %sub3A : i32
    %select_n3A_29 = arith.select %and3A_27, %sub3A_28, %div3A : i32
    %add3A_30 = arith.addi %mul3A_8, %select_n3A_29 : i32
    %c0_i32 = arith.constant 0 : i32
    %c0_i32_31 = arith.constant 0 : i32
    return %add3A_30, %c0_i32 : i32, i32
  }
}

</mosaic_0001>

<sc_bundles>
// kernel: kernel.4.cloned.1.call-start
scs
__scs_entry_jumppad:
0x0: {  	(pc) =	sbr.rel $0x88, $3  }
0x1: {  	(tag) =	ssettag $0x0;
	lr =	simm.s32 $0x1  }
0x2: {  	[smem:$0x3F9A] =	sst lr;
	_ =	strace $0xD0000000  }
0x3: {  	_ = 	snop  }
0x4: {  	_ = 	snop  }
0x5: {  	_ = 	snop  }
0x6: {  	_ = 	snop  }
0x7: {  	_ = 	snop  }
__scs_overlays_trampoline_lowered:
0x8: {  	[smem:$0x3FA9] =	sst s0  }
0x9: {  	[smem:$0x3FAA] =	sst s1  }
0xa: {  	[smem:$0x3FAB] =	sst s2  }
0xb: {  	[smem:$0x3FAC] =	sst s3  }
0xc: {  	[smem:$0x3FAD] =	sst s4  }
0xd: {  	[smem:$0x3FAE] =	sst s5  }
0xe: {  	[smem:$0x3FAF] =	sst s6  }
0xf: {  	[smem:$0x3FB0] =	sst s7  }
0x10: {  	[smem:$0x3FB1] =	sst s8  }
0x11: {  	[smem:$0x3FB2] =	sst s9;
	s0 =	simm.s32 @!p0 $0x0  }
0x12: {  	s1 =	sld [smem:$0x3F98];
	s0 =	simm.s32 @p0 $0x1  }
0x13: {  	[smem:$0x3FB3] =	sst s0;
	s0 =	simm.s32 @!p1 $0x0  }
0x14: {  	s2 =	sld [smem:$0x3F97];
	s0 =	simm.s32 @p1 $0x1  }
0x15: {  	[smem:$0x3FB4] =	sst s0;
	s0 =	simm.s32 @!p2 $0x0  }
0x16: {  	s3 =	sld [smem:$0x3FDB];
	s0 =	simm.s32 @p2 $0x1  }
0x17: {  	s4 =	simm.s32 $0x1BF5;
	[smem:$0x3FB6] =	sst s0  }
0x18: {  	s0 =	sld [smem:$0x3F99];
	_ =	swait.ge [sflag:s4], $0x0  }
0x19: {  	s7 =	sld [smem:$0x3F9A]  }
0x1a: {  	s8 =	sadd.s32 $0xFFFFE003, lr  }
0x1b: {  	s9 =	sadd.s32 $0xFFFFFEF7, lr;
	s5 =	simm.s32 $0xFFFFFFFF;
	p2 =	slt.u32 s8, $0xFFFFF086  }
0x1c: {  	p1 =	slt.u32 s9, $0xF7A;
	s5 =	simm.s32 @!p2 $0x0  }
0x1d: {  	s5 =	simm.s32 @p1 $0x1;
	p0 =	seq.s32 s7, s2  }
0x1e: {  	s7 =	smul.u32 @!p0 $0xF7A, s2;
	p2 =	seq.s32 @!p0 s5, $0x0  }
0x1f: {  	s9 =	smul.u32 $0xF7A, s1;
	s8 =	simm.s32 @!p0 $0x1BF5;
	p2 =	por !p2, p0  }
0x20: {  	[sflag:s8] =	ssyncset.s32 @!p0 $0xFFFFF086;
	s6 =	sadd.s32 @!p0 s3, s7;
	s7 =	simm.s32 @!p0 $0x108  }
0x21: {  	s3 =	sadd.s32 s3, s9;
	s6 =	sadd.s32 @!p0 $0x88, s6;
	s7 =	simm.s32 @p2 $0x1082  }
0x22: {  	[simem:s7], [sflag:s8] =	dma.local @!p0 [hbm:s6], $0xF7A  }
0x23: {  	s9 =	sor.u32 $0xD0000000, s2;
	s6 =	simm.s32 $0x108;
	_ =	swait.ge @!p0 [sflag:s8], $0x0  }
0x24: {  	s3 =	sadd.s32 $0x88, s3;
	s6 =	simm.s32 @!p1 $0x1082;
	[sflag:s4] =	ssyncset.s32 $0xFFFFF086  }
0x25: {  	[simem:s6], [sflag:s4] =	dma.local [hbm:s3], $0xF7A  }
0x26: {  	[smem:$0x3F9A] =	sst s1;
	(tag) =	ssettag s2;
	_ =	strace s9  }
0x27: {  	s1 =	sld [smem:$0x3FAA]  }
0x28: {  	s2 =	sld [smem:$0x3FAB]  }
0x29: {  	s4 =	sld [smem:$0x3FAD]  }
0x2a: {  	p0 =	seq.s32 s5, $0x0;
	s5 =	sld [smem:$0x3FAE]  }
0x2b: {  	s6 =	sld [smem:$0x3FAF]  }
0x2c: {  	s7 =	sld [smem:$0x3FB0]  }
0x2d: {  	s3 =	simm.s32 $0x108;
	s8 =	sld [smem:$0x3FB1]  }
0x2e: {  	s3 =	simm.s32 @!p0 $0x1082;
	s9 =	sld [smem:$0x3FB2]  }
0x2f: {  	lr =	sadd.s32 s0, s3;
	s0 =	sld [smem:$0x3FA9]  }
0x30: {  	s3 =	sld [smem:$0x3FAC]  }
0x31: {  	[smem:$0x3FB5] =	sst s10  }
0x32: {  	s10 =	sld [smem:$0x3FB3];
	_ =	sdelay $0x3  }
0x33: {  	p0 =	seq.s32 s10, $0x1;
	s10 =	sld [smem:$0x3FB5];
	_ =	sdelay $0x3  }
0x34: {  	[smem:$0x3FB5] =	sst s10  }
0x35: {  	s10 =	sld [smem:$0x3FB4];
	_ =	sdelay $0x3  }
0x36: {  	p1 =	seq.s32 s10, $0x1;
	s10 =	sld [smem:$0x3FB5];
	_ =	sdelay $0x3  }
0x37: {  	[smem:$0x3FB5] =	sst s10  }
0x38: {  	s10 =	sld [smem:$0x3FB6]  }
0x39: {  	_ = 	snop;
	(pc) =	sbr.ind lr, $3  }
0x3a: {  	_ = 	snop  }
0x3b: {  	_ = 	snop  }
0x3c: {  	p2 =	seq.s32 s10, $0x1;
	s10 =	sld [smem:$0x3FB5]  }
0x3d: {  	_ =	shalt  }
0x3e: {  	_ =	shalt  }
0x3f: {  	_ =	shalt  }
0x40: {  	_ =	shalt  }
0x41: {  	_ =	shalt  }
0x42: {  	_ =	shalt  }
0x43: {  	_ =	shalt  }
0x44: {  	_ =	shalt  }
0x45: {  	_ =	shalt  }
0x46: {  	_ =	shalt  }
0x47: {  	_ =	shalt  }
0x48: {  	_ =	shalt  }
0x49: {  	_ =	shalt  }
0x4a: {  	_ =	shalt  }
0x4b: {  	_ =	shalt  }
0x4c: {  	_ =	shalt  }
0x4d: {  	_ =	shalt  }
0x4e: {  	_ =	shalt  }
0x4f: {  	_ =	shalt  }
0x50: {  	_ =	shalt  }
0x51: {  	_ =	shalt  }
0x52: {  	_ =	shalt  }
0x53: {  	_ =	shalt  }
0x54: {  	_ =	shalt  }
0x55: {  	_ =	shalt  }
0x56: {  	_ =	shalt  }
0x57: {  	_ =	shalt  }
0x58: {  	_ =	shalt  }
0x59: {  	_ =	shalt  }
0x5a: {  	_ =	shalt  }
0x5b: {  	_ =	shalt  }
0x5c: {  	_ =	shalt  }
0x5d: {  	_ =	shalt  }
0x5e: {  	_ =	shalt  }
0x5f: {  	_ =	shalt  }
0x60: {  	_ =	shalt  }
0x61: {  	_ =	shalt  }
0x62: {  	_ =	shalt  }
0x63: {  	_ =	shalt  }
0x64: {  	_ =	shalt  }
0x65: {  	_ =	shalt  }
0x66: {  	_ =	shalt  }
0x67: {  	_ =	shalt  }
0x68: {  	_ =	shalt  }
0x69: {  	_ =	shalt  }
0x6a: {  	_ =	shalt  }
0x6b: {  	_ =	shalt  }
0x6c: {  	_ =	shalt  }
0x6d: {  	_ =	shalt  }
0x6e: {  	_ =	shalt  }
0x6f: {  	_ =	shalt  }
0x70: {  	_ =	shalt  }
0x71: {  	_ =	shalt  }
0x72: {  	_ =	shalt  }
0x73: {  	_ =	shalt  }
0x74: {  	_ =	shalt  }
0x75: {  	_ =	shalt  }
0x76: {  	_ =	shalt  }
0x77: {  	_ =	shalt  }
0x78: {  	_ =	shalt  }
0x79: {  	_ =	shalt  }
0x7a: {  	_ =	shalt  }
0x7b: {  	_ =	shalt  }
0x7c: {  	_ =	shalt  }
0x7d: {  	_ =	shalt  }
0x7e: {  	_ =	shalt  }
0x7f: {  	_ =	shalt  }
0x80: {  	_ =	shalt  }
0x81: {  	_ =	shalt  }
0x82: {  	_ =	shalt  }
0x83: {  	_ =	shalt  }
0x84: {  	_ =	shalt  }
0x85: {  	_ =	shalt  }
0x86: {  	_ =	shalt  }
0x87: {  	_ =	shalt  }
.Lfunc_end0:
.L_simem_size_0:
called_computation_lowered:
.L_overlay_start_0:
0x88: {  	s2 =	sld [smem:$0x3FD9]  }
0x89: {  	s3 =	sld [smem:$0x3FFE];
	_ =	sdelay $0x1  }
0x8a: {  	s1 =	srdreg.scid  }
0x8b: {  	s0 =	sand.u32 $0x1, s1  }
0x8c: {  	s18 =	sshll.u32 s0, $0xA;
	s2 =	sadd.s32 s3, s2  }
0x8d: {  	s2 =	sadd.s32 s2, s18  }
0x8e: {  	[smem:$0x3FC1] =	sst s2  }
0x8f: {  	_ = 	snop  }
0x90: {  	s2 =	sld [smem:$0x3FC9]  }
0x91: {  	s19 =	sld [smem:$0x3FC7]  }
0x92: {  	s4 =	sld [smem:$0x3FD0];
	(tm) =	ssettm $0x1  }
0x93: {  	s5 =	sld [smem:$0x3FFB];
	_ =	sdelay $0x3  }
0x94: {  	_ =	strace s5  }
0x95: {  	s5 =	sld [smem:$0x3FFC];
	_ =	sdelay $0x3  }
0x96: {  	_ =	strace s5  }
0x97: {  	s5 =	sld [smem:$0x3FFD];
	_ =	sdelay $0x3  }
0x98: {  	_ =	strace s5  }
0x99: {  	_ =	strace $0x8FFFFFFF  }
0x9a: {  	s20 =	sld [smem:$0x3FDB];
	_ =	sdelay $0x1  }
0x9b: {  	s6 =	simm.s32 $_scs_section_size  }
0x9c: {  	s7 =	simm.s32 $_size__tile_overlayer_lowered;
	s8 =	simm.s32 $_tile_overlayer_lowered  }
0x9d: {  	s23 =	simm.s32 $0x1BFF;
	s22 =	sshll.u32 s8, $0x1;
	s5 =	sadd.s32 s6, s20  }
0x9e: {  	s9 =	simm.s32 $0x0;
	s21 =	sshll.u32 s7, $0x1;
	s7 =	sadd.s32 s22, s5  }
0x9f: {  	[timem:s9], [sflag:s23] =	dma.local [hbm:s7], s21  }
0xa0: {  	_ =	swait.ge [sflag:s23], s21  }
0xa1: {  	s6 =	ssub.s32 $0x0, s21;
	[sflag:s23] =	ssyncset.done $0x0  }
0xa2: {  	[sflag:s23] =	ssyncadd.s32 s6;
	_ =	sdelay $0x1  }
0xa3: {  	s24 =	simm.s32 $0x1B8B  }
0xa4: {  	_ =	swait.ge [sflag:s24], $0x1  }
0xa5: {  	[sflag:s24] =	ssyncset.done $0x0  }
0xa6: {  	s25 =	simm.s32 $0x1B8E;
	[sflag:s24] =	ssyncadd.s32 $0xFFFFFFFF  }
0xa7: {  	s26 =	simm.s32 $execute0_lowered;
	[smem:$0x3FD2] =	sst s25  }
0xa8: {  	s6 =	sshll.u32 s26, $0x1;
	_ =	strace $0x80000046;
	[dreg:$0x1] =	wrdreg $0xFFFFFFFF  }
0xa9: {  	s28 =	simm.s32 $_size_execute0_lowered;
	s5 =	sadd.s32 s5, s6;
	[dreg:$0x0] =	wrdreg $0x0  }
0xaa: {  	s6 =	sshll.u32 s28, $0x1;
	[dreg:$0x2] =	wrdreg s5  }
0xab: {  	[dreg:$0x3] =	wrdreg s6  }
0xac: {  	[dreg:$0x4] =	wrdreg $0xC0  }
0xad: {  	_ =	task [dreg:s9], $0x5FFFF  }
0xae: {  	[dreg:$0x1] =	wrdreg $0xFFFFFFFF  }
0xaf: {  	[dreg:$0x0] =	wrdreg $0x60  }
0xb0: {  	[dreg:$0x2] =	wrdreg s2  }
0xb1: {  	[dreg:$0x3] =	wrdreg s19  }
0xb2: {  	[dreg:$0x4] =	wrdreg s4  }
0xb3: {  	[dreg:$0x5] =	wrdreg $0x9  }
0xb4: {  	_ =	task.clear_ibuf [dreg:s9], $0x6FFFF;
	_ =	strace $0x90000046  }
0xb5: {  	s29 =	simm.s32 $0x9;
	_ =	strace $0x80000048  }
0xb6: {  	_ =	swait.ge [sflag:s29], $0x1  }
0xb7: {  	[sflag:s29] =	ssyncadd.s32 $0xFFFFFFFF  }
0xb8: {  	_ =	strace $0x90000048  }
0xb9: {  	_ =	sfence  }
0xba: {  	s30 =	sld [smem:$0x0];
	_ =	sdelay $0x2  }
0xbb: {  	s31 =	sshll.u32 s1, $0xD;
	s1 =	sshrl.u32 s1, $0x2  }
0xbc: {  	s3 =	sand.u32 $0x4000, s31;
	s1 =	sadd.s32 s1, s30  }
0xbd: {  	s0 =	sor.u32 s3, s0;
	s1 =	sshll.u32 s1, $0x11  }
0xbe: {  	s0 =	sor.u32 s1, s0  }
0xbf: {  	s0 =	sadd.s32 $0x8F2B, s0  }
0xc0: {  	[sflag:s0] =	ssyncadd.remote.s32 $0x1  }
0xc1: {  	_ =	sfence.sel $0xFFFF  }
0xc2: {  	[dreg:$0x0] =	wrdreg $0xFFFFFFFF;
	(pc) =	sbr.abs _section_cstart, $3  }
0xc3: {  	[dreg:$0x1] =	wrdreg $0xFFFFFFFF  }
0xc4: {  	_ =	task.clear_ibuf [dreg:s9], $0x2FFFF;
	_ =	strace $0x9FFFFFFF  }
0xc5: {  	(tm) =	ssettm $0x7FFFFFFF  }
tec
execute0_lowered:
.L_overlay_start_1:
0x0: {  	(tag) =	ssettag $0x1  }
0x1: {  	s4 =	rddreg [dreg:$0x0]  }
0x2: {  	s2 =	rddreg [dreg:$0x1];
	s1 =	srdreg.scid  }
0x3: {  	s0 =	stileid.u32;
	s11 =	rddreg [dreg:$0x2];
	s7 =	simm.s32 $0x200  }
0x4: {  	s12 =	sand.u32 $0x1, s1;
	s3 =	sshll.u32 s0, $0x1;
	s1 =	rddreg [dreg:$0x3]  }
0x5: {  	s5 =	sshll.u32 s0, $0x2;
	s13 =	sor.u32 s12, s3;
	s3 =	simm.s32 $0x0  }
0x6: {  	s5 =	sand.u32 $0x30, s5;
	s6 =	sshll.u32 s13, $0x7;
	[smem:$0x7FF] =	sst s3  }
0x7: {  	s4 =	sadd.s32 s4, s5;
	s5 =	simm.s32 $0x80;
	s6 =	sand.u32 $0x380, s6  }
0x8: {  	_ =	strace $0x80000047;
	s4 =	sadd.s32 s6, s4;
	s6 =	simm.s32 $0x2  }
0x9: {  	[tilespmem:s3], [sflag:$0x2] =	stream.strided.gather [hbm4b:s4+s5], $0x100, s7, s5, $0x38;
	[tilespmem:$0x8100] =	vst v63  }
0xa: {  	_ =	swait.ge [sflag:s6], $0x100  }
0xb: {  	[sflag:s6] =	ssyncset.done $0x0  }
0xc: {  	s8 =	simm.s32 $0x100;
	[sflag:s6] =	ssyncadd.s32 $0xFFFFFF00  }
0xd: {  	[tilespmem:s8], [sflag:$0x1] =	stream.indirect.gather [hbm4b:s2+s5], $0x80, s3, s5, $0xb8;
	[tilespmem:$0x8100] =	vst v63  }
0xe: {  	s9 =	simm.s32 $0x4100;
	s10 =	simm.s32 $0x1;
	s12 =	ssub.s32 $0x2, s12  }
0xf: {  	[tilespmem:s9], [sflag:$0x1] =	stream.indirect.gather [hbm4b:s2+s5], $0x80, s5, s5, $0xb8;
	[tilespmem:$0x8100] =	vst v63  }
0x10: {  	s14 =	sshrl.u32 s12, $0x1;
	_ =	swait.ge [sflag:s10], $0x4000  }
0x11: {  	s12 =	ssub.s32 s12, s14;
	[sflag:s10] =	ssyncset.done $0x0  }
0x12: {  	s12 =	smax.u32 s12, $0x1;
	[sflag:s10] =	ssyncadd.s32 $0xFFFFC000  }
0x13: {  	p0 =	sne.s32 s12, $0x1;
	_ =	swait.ge [sflag:s10], $0x4000  }
.Ltmp0:
0x14: {  	s13 =	sshll.u32 s13, $0xC;
	[sflag:s10] =	ssyncset.done $0x0;
	(pc) =	sbr.rel @!p0 .LBB2_2-.Ltmp0, $4  }
0x15: {  	s11 =	sadd.s32 s11, s13;
	[sflag:s10] =	ssyncadd.s32 $0xFFFFC000  }
0x16: {  	[hbm4b:s11+s3] =	stream.linear.scatter [tilespmem:s8], [sflag:$0x2], $0x8000, $0x38;
	[tilespmem:$0x8100] =	vst v63  }
0x17: {  	_ =	swait.ge [sflag:s6], $0x8000  }
0x18: {  	s12 =	sadd.s32 $0xFFFFFFFF, s12;
	[sflag:s6] =	ssyncset.done $0x0  }
.LBB2_1:
0x19: {  	p0 =	sne.s32 s12, $0x1;
	s12 =	sadd.s32 $0xFFFFFFFF, s12;
	[sflag:s6] =	ssyncadd.s32 $0xFFFF8000  }
0x1a: {  	[tilespmem:s3], [sflag:$0x2] =	stream.strided.gather [hbm4b:s4+s5], $0x100, s7, s5, $0x38;
	[tilespmem:$0x8100] =	vst v63  }
0x1b: {  	_ =	swait.ge [sflag:s6], $0x100  }
0x1c: {  	[sflag:s6] =	ssyncset.done $0x0  }
0x1d: {  	[sflag:s6] =	ssyncadd.s32 $0xFFFFFF00  }
0x1e: {  	[tilespmem:s8], [sflag:$0x1] =	stream.indirect.gather [hbm4b:s2+s5], $0x80, s3, s5, $0xb8;
	[tilespmem:$0x8100] =	vst v63  }
0x1f: {  	_ = 	snop  }
0x20: {  	[tilespmem:s9], [sflag:$0x1] =	stream.indirect.gather [hbm4b:s2+s5], $0x80, s5, s5, $0xb8;
	[tilespmem:$0x8100] =	vst v63  }
0x21: {  	_ =	swait.ge [sflag:s10], $0x4000  }
0x22: {  	[sflag:s10] =	ssyncset.done $0x0  }
0x23: {  	[sflag:s10] =	ssyncadd.s32 $0xFFFFC000  }
0x24: {  	_ =	swait.ge [sflag:s10], $0x4000  }
.Ltmp1:
0x25: {  	[sflag:s10] =	ssyncset.done $0x0;
	(pc) =	sbr.rel @p0 .LBB2_1-.Ltmp1, $4  }
0x26: {  	[sflag:s10] =	ssyncadd.s32 $0xFFFFC000  }
0x27: {  	[hbm4b:s11+s3] =	stream.linear.scatter [tilespmem:s8], [sflag:$0x2], $0x8000, $0x38;
	[tilespmem:$0x8100] =	vst v63  }
0x28: {  	_ =	swait.ge [sflag:s6], $0x8000  }
0x29: {  	[sflag:s6] =	ssyncset.done $0x0  }
.LBB2_2:
0x2a: {  	[sflag:s6] =	ssyncadd.s32 $0xFFFF8000  }
0x2b: {  	_ =	sfence.sel $0x180000  }
0x2c: {  	[bflag:$0x0] =	sbarrier.arrive $0xFFFF  }
0x2d: {  	p0 =	sne.s32 s0, $0x0;
	_ =	strace $0x90000047  }
0x2e: {  	s0 =	sadd.s32 @!p0 $0x100000, s1;
	[bflag:$0x2] =	sbarrier.arrive $0xFFFF  }
0x2f: {  	[sflag:s0] =	ssyncadd.tile.s32 @!p0 $0x1;
	_ =	shalt  }
.Lfunc_end2:
_tile_overlayer_lowered:
.L_overlay_start_2:
0x30: {  	(tag) =	ssettag $0x2  }
0x31: {  	s0 =	rddreg [dreg:$0x0];
	s2 =	stileid.u32  }
0x32: {  	s1 =	rddreg [dreg:$0x1];
	p0 =	sne.s32 s2, $0x0  }
0x33: {  	s3 =	rddreg [dreg:$0x2];
	[bflag:$0x3] =	sbarrier.arrive $0xFFFF;
	s2 =	simm.s32 @!p0 $0x1C02  }
0x34: {  	[timem:s3], [sflag:s2] =	dma.local @!p0 [hbm:s0], s1  }
0x35: {  	s0 =	simm.s32 @!p0 $0x2  }
0x36: {  	_ =	swait.ge @!p0 [sflag:s0], s1  }
0x37: {  	s1 =	ssub.s32 @!p0 $0x0, s1;
	[sflag:s0] =	ssyncset.done @!p0 $0x0  }
0x38: {  	[sflag:s0] =	ssyncadd.s32 @!p0 s1  }
0x39: {  	[bflag:$0x3] =	sbarrier.arrive $0xFFFF  }
0x3a: {  	_ =	shalt  }

</sc_bundles>
